<compile_context>
chip_gen: v7x
topology: tpu7x:2x2x1
jax: 0.10.2.dev20260603
libtpu: 0.0.44.dev20260713+nightly
codegen_flags: <defaults>
</compile_context>

<pallas_src>
import functools

import jax
import jax.numpy as jnp
import numpy as np
from jax import lax
from jax.experimental import pallas as pl
from jax.experimental.pallas import tpu as pltpu
from jax.experimental.pallas import tpu_sc as plsc

NUM_FIELDS = 26
VOCAB = 1000
EMB_DIM = 50
NUM_NUMERIC = 13
BATCH = 16384
H1 = 128

NC = 2
NS = 16
NW = NC * NS
BPW = BATCH // NW
LPW = BPW * NUM_FIELDS
RPC = 4
CW = RPC * NUM_FIELDS
NCHUNK = LPW // CW
LANES = 16


def _fold_body(e_ref, w_ref, o_ref):
    o_ref[...] = jnp.dot(e_ref[0], w_ref[0], preferred_element_type=jnp.float32)


def _fold_tables(emb_tables, w1_emb):
    return pl.pallas_call(
        _fold_body,
        grid=(NUM_FIELDS,),
        in_specs=[
            pl.BlockSpec((1, VOCAB, EMB_DIM), lambda f: (f, 0, 0)),
            pl.BlockSpec((1, EMB_DIM, H1), lambda f: (f, 0, 0)),
        ],
        out_specs=pl.BlockSpec((VOCAB, H1), lambda f: (f, 0)),
        out_shape=jax.ShapeDtypeStruct((NUM_FIELDS * VOCAB, H1), jnp.float32),
    )(emb_tables, w1_emb)


NBUF = 3


def _gather_sum_body(t_hbm, idx_hbm, pat_hbm, zeros_hbm, out_hbm,
                     idx_v, pat_v, bufs, acc, sgs):
    cid = lax.axis_index("c")
    sid = lax.axis_index("s")
    wid = sid * NC + cid
    pltpu.sync_copy(idx_hbm.at[wid], idx_v)
    pltpu.sync_copy(pat_hbm, pat_v)
    my_acc = acc.at[pl.ds(sid * BPW, BPW)]
    pltpu.sync_copy(zeros_hbm, my_acc)

    for k in range(NBUF):
        pltpu.async_copy(t_hbm.at[idx_v.at[k]], bufs[k], sgs[k])

    def body(cb, _):
        c = cb * NBUF
        for k in range(NBUF):
            pltpu.make_async_copy(t_hbm.at[idx_v.at[c + k]], bufs[k],
                                  sgs[k]).wait()
            row0 = sid * BPW + (c + k) * RPC
            pltpu.sync_copy(bufs[k], acc.at[pl.ds(row0, RPC)].at[pat_v],
                            add=True)
            nxt = lax.rem(c + NBUF + k, NCHUNK)
            pltpu.async_copy(t_hbm.at[idx_v.at[nxt]], bufs[k], sgs[k])
        return 0

    lax.fori_loop(0, NCHUNK // NBUF, body, 0)
    done = (NCHUNK // NBUF) * NBUF
    for k in range(NBUF):
        ch = done + k
        pltpu.make_async_copy(t_hbm.at[idx_v.at[k]], bufs[k], sgs[k]).wait()
        if ch < NCHUNK:
            row0 = sid * BPW + ch * RPC
            pltpu.sync_copy(bufs[k], acc.at[pl.ds(row0, RPC)].at[pat_v],
                            add=True)

    pltpu.sync_copy(my_acc, out_hbm.at[pl.ds(wid * BPW, BPW)])


def _gather_sum(t_flat, idx3, pat, zeros):
    mesh = plsc.VectorSubcoreMesh(core_axis_name="c", subcore_axis_name="s",
                                  num_cores=NC, num_subcores=NS)
    f = functools.partial(
        pl.kernel,
        out_type=jax.ShapeDtypeStruct((BATCH, H1), jnp.float32),
        mesh=mesh,
        scratch_types=[
            pltpu.VMEM((NCHUNK, CW), jnp.int32),
            pltpu.VMEM((CW,), jnp.int32),
            [pltpu.VMEM((CW, H1), jnp.float32) for _ in range(NBUF)],
            pltpu.VMEM_SHARED((NS * BPW, H1), jnp.float32),
            [pltpu.SemaphoreType.DMA for _ in range(NBUF)],
        ],
    )(_gather_sum_body)
    return f(t_flat, idx3, pat, zeros)


def _mlp_body(g_ref, xn_ref, w1n_ref, b1_ref, w2_ref, b2_ref, w3_ref, b3_ref,
              w4_ref, b4_ref, o_ref):
    h = g_ref[...] + jnp.dot(xn_ref[...], w1n_ref[...],
                             preferred_element_type=jnp.float32)
    h = jax.nn.relu(h + b1_ref[...])
    h = jax.nn.relu(jnp.dot(h, w2_ref[...], preferred_element_type=jnp.float32)
                    + b2_ref[...])
    h = jax.nn.relu(jnp.dot(h, w3_ref[...], preferred_element_type=jnp.float32)
                    + b3_ref[...])
    o_ref[...] = (jnp.dot(h, w4_ref[...], preferred_element_type=jnp.float32)
                  + b4_ref[...])


def _mlp_tail(g, x_num, w1n, b1, w2, b2, w3, b3, w4, b4):
    BB = 4096
    full = lambda *shape: pl.BlockSpec(shape, lambda i: (0,) * len(shape))
    return pl.pallas_call(
        _mlp_body,
        grid=(BATCH // BB,),
        in_specs=[
            pl.BlockSpec((BB, H1), lambda i: (i, 0)),
            pl.BlockSpec((BB, NUM_NUMERIC), lambda i: (i, 0)),
            full(NUM_NUMERIC, H1),
            full(H1),
            full(H1, 64),
            full(64),
            full(64, 32),
            full(32),
            full(32, 1),
            full(1),
        ],
        out_specs=pl.BlockSpec((BB, 1), lambda i: (i, 0)),
        out_shape=jax.ShapeDtypeStruct((BATCH, 1), jnp.float32),
    )(g, x_num, w1n, b1, w2, b2, w3, b3, w4, b4)


_PAT = np.arange(CW, dtype=np.int32) // NUM_FIELDS
_ZEROS = np.zeros((BPW, H1), np.float32)
_FIELD_OFF = np.arange(NUM_FIELDS, dtype=np.int32) * VOCAB


def kernel(x_num, x_cat, emb_tables, W1, b1, W2, b2, W3, b3, W4, b4):
    w1_num = W1[:NUM_NUMERIC]
    w1_emb = W1[NUM_NUMERIC:].reshape(NUM_FIELDS, EMB_DIM, H1)

    t_flat = _fold_tables(emb_tables, w1_emb)

    idx = x_cat + _FIELD_OFF[None, :]
    idx3 = idx.reshape(NW, NCHUNK, CW)

    g = _gather_sum(t_flat, idx3, _PAT, _ZEROS)

    out = _mlp_tail(g, x_num, w1_num, b1, W2, b2, W3, b3, W4, b4)
    return out[:, 0]

# --- scband reference (transcript-rebuilt; emitter-appended) ---
"""Pipeline reference for scband-embedding-mlp-21672404975864 (READ-ONLY COPY).

The authoritative reference and input builder live on the scoring server;
editing this copy changes nothing except your own understanding.
"""

import jax, jax.numpy as jnp
import numpy as np

NUM_FIELDS = 26
VOCAB = 1000
EMB_DIM = 50
NUM_NUMERIC = 13
BATCH = 16384
INPUT_DIM = NUM_NUMERIC + NUM_FIELDS * EMB_DIM  # 1313


def setup_inputs(seed: int = 0) -> dict:
    key = jax.random.key(seed)
    ks = jax.random.split(key, 12)
    x_num = jax.random.normal(ks[0], (BATCH, NUM_NUMERIC), dtype=jnp.float32)
    x_cat = jax.random.randint(ks[1], (BATCH, NUM_FIELDS), 0, VOCAB, dtype=jnp.int64 if jax.config.jax_enable_x64 else jnp.int32).astype(jnp.int32)
    emb_tables = jax.random.normal(ks[2], (NUM_FIELDS, VOCAB, EMB_DIM), dtype=jnp.float32) * 0.05
    W1 = jax.random.normal(ks[3], (INPUT_DIM, 128), dtype=jnp.float32) * (1.0 / np.sqrt(INPUT_DIM))
    b1 = jnp.zeros((128,), dtype=jnp.float32)
    W2 = jax.random.normal(ks[4], (128, 64), dtype=jnp.float32) * (1.0 / np.sqrt(128))
    b2 = jnp.zeros((64,), dtype=jnp.float32)
    W3 = jax.random.normal(ks[5], (64, 32), dtype=jnp.float32) * (1.0 / np.sqrt(64))
    b3 = jnp.zeros((32,), dtype=jnp.float32)
    W4 = jax.random.normal(ks[6], (32, 1), dtype=jnp.float32) * (1.0 / np.sqrt(32))
    b4 = jnp.zeros((1,), dtype=jnp.float32)
    return {"x_num": x_num, "x_cat": x_cat, "emb_tables": emb_tables,
            "W1": W1, "b1": b1, "W2": W2, "b2": b2, "W3": W3, "b3": b3, "W4": W4, "b4": b4}


def reference(x_num, x_cat, emb_tables, W1, b1, W2, b2, W3, b3, W4, b4):
    # embedding lookups per field (gather), then concat (matches ModuleList of nn.Embedding)
    embedded = [jnp.take(emb_tables[i], x_cat[:, i], axis=0) for i in range(NUM_FIELDS)]
    x_emb = jnp.concatenate(embedded, axis=1)
    x = jnp.concatenate([x_num, x_emb], axis=1)
    # MLP (dropout is identity in eval mode)
    h = jax.nn.relu(x @ W1 + b1)
    h = jax.nn.relu(h @ W2 + b2)
    h = jax.nn.relu(h @ W3 + b3)
    logits = (h @ W4 + b4)[:, 0]
    return logits

if __name__ == "__main__":
    import jax
    _d = setup_inputs()
    print(jax.jit(kernel)(*tuple(_d.values())))

</pallas_src>

<mosaic_0001>
#map = affine_map<(d0, d1) -> (0, 0)>
#map1 = affine_map<(d0, d1) -> (0, 0, 0)>
#map2 = affine_map<(d0, d1) -> (0)>
module attributes {stable_mosaic.version = 14 : i64} {
  func.func @_gather_sum_body(%arg0: i32, %arg1: i32, %arg2: memref<26000x128xf32, #tpu.memory_space<hbm>>, %arg3: memref<32x128x104xi32, #tpu.memory_space<hbm>>, %arg4: memref<104xi32, #tpu.memory_space<hbm>>, %arg5: memref<512x128xf32, #tpu.memory_space<hbm>>, %arg6: memref<16384x128xf32, #tpu.memory_space<hbm>>, %arg7: memref<128x104xi32, #tpu.memory_space<vmem>>, %arg8: memref<104xi32, #tpu.memory_space<vmem>>, %arg9: memref<104x128xf32, #tpu.memory_space<vmem>>, %arg10: memref<104x128xf32, #tpu.memory_space<vmem>>, %arg11: memref<104x128xf32, #tpu.memory_space<vmem>>, %arg12: memref<8192x128xf32, #tpu.memory_space<vmem_shared>>, %arg13: memref<!tpu.dma_semaphore, #tpu.memory_space<semaphore_mem>>, %arg14: memref<!tpu.dma_semaphore, #tpu.memory_space<semaphore_mem>>, %arg15: memref<!tpu.dma_semaphore, #tpu.memory_space<semaphore_mem>>) attributes {dimension_semantics = [#tpu.dimension_semantics<core_parallel>, #tpu.dimension_semantics<subcore_parallel>], iteration_bounds = array<i64: 2, 16>, scalar_prefetch = 0 : i64, scratch_operands = 9 : i64, tpu.core_type = #tpu.core_type<sc_vector_subcore>, window_params = [{transform_indices = #map}, {transform_indices = #map1}, {transform_indices = #map2}, {transform_indices = #map}, {transform_indices = #map}]} {
    %mul3A = arith.constant 2 : i32
    %mul3A_0 = arith.muli %arg1, %mul3A : i32
    %add3A = arith.addi %mul3A_0, %arg0 : i32
    "tpu.region"() ({
      %run_scoped3A = tpu.sem_alloc : memref<!tpu.dma_semaphore, #tpu.memory_space<semaphore_mem>>
      %dma_start3A_59 = arith.constant 0 : i32
      %dma_start3A_60 = arith.constant 0 : i32
      %dma_start3A_61 = tpu.memref_slice %arg3[%add3A, %dma_start3A_59, %dma_start3A_60] : memref<32x128x104xi32, #tpu.memory_space<hbm>> -> memref<1x128x104xi32, #tpu.memory_space<hbm>>
      %dma_start3A_62 = tpu.memref_squeeze %dma_start3A_61 : memref<1x128x104xi32, #tpu.memory_space<hbm>> -> memref<128x104xi32, #tpu.memory_space<hbm>>
      %dma_start3A_63 = arith.constant 0 : i32
      %dma_start3A_64 = arith.constant 0 : i32
      %dma_start3A_65 = tpu.memref_slice %arg3[%add3A, %dma_start3A_63, %dma_start3A_64] : memref<32x128x104xi32, #tpu.memory_space<hbm>> -> memref<1x128x104xi32, #tpu.memory_space<hbm>>
      %dma_start3A_66 = tpu.memref_squeeze %dma_start3A_65 : memref<1x128x104xi32, #tpu.memory_space<hbm>> -> memref<128x104xi32, #tpu.memory_space<hbm>>
      tpu.enqueue_dma source(%dma_start3A_66 : memref<128x104xi32, #tpu.memory_space<hbm>>) target(%arg7 : memref<128x104xi32, #tpu.memory_space<vmem>>) target_semaphore(%run_scoped3A : memref<!tpu.dma_semaphore, #tpu.memory_space<semaphore_mem>>)
      %dma_wait3A_67 = arith.constant 0 : i32
      %dma_wait3A_68 = arith.constant 0 : i32
      %dma_wait3A_69 = tpu.memref_slice %arg3[%add3A, %dma_wait3A_67, %dma_wait3A_68] : memref<32x128x104xi32, #tpu.memory_space<hbm>> -> memref<1x128x104xi32, #tpu.memory_space<hbm>>
      %dma_wait3A_70 = tpu.memref_squeeze %dma_wait3A_69 : memref<1x128x104xi32, #tpu.memory_space<hbm>> -> memref<128x104xi32, #tpu.memory_space<hbm>>
      %dma_wait3A_71 = arith.constant 0 : i32
      %dma_wait3A_72 = arith.constant 0 : i32
      %dma_wait3A_73 = tpu.memref_slice %arg3[%add3A, %dma_wait3A_71, %dma_wait3A_72] : memref<32x128x104xi32, #tpu.memory_space<hbm>> -> memref<1x128x104xi32, #tpu.memory_space<hbm>>
      %dma_wait3A_74 = tpu.memref_squeeze %dma_wait3A_73 : memref<1x128x104xi32, #tpu.memory_space<hbm>> -> memref<128x104xi32, #tpu.memory_space<hbm>>
      tpu.wait_dma2 semaphore(%run_scoped3A : memref<!tpu.dma_semaphore, #tpu.memory_space<semaphore_mem>>) src(%dma_wait3A_74 : memref<128x104xi32, #tpu.memory_space<hbm>>) dst(%arg7 : memref<128x104xi32, #tpu.memory_space<vmem>>)
      tpu.yield
    }) : () -> ()
    "tpu.region"() ({
      %run_scoped3A = tpu.sem_alloc : memref<!tpu.dma_semaphore, #tpu.memory_space<semaphore_mem>>
      tpu.enqueue_dma source(%arg4 : memref<104xi32, #tpu.memory_space<hbm>>) target(%arg8 : memref<104xi32, #tpu.memory_space<vmem>>) target_semaphore(%run_scoped3A : memref<!tpu.dma_semaphore, #tpu.memory_space<semaphore_mem>>)
      tpu.wait_dma2 semaphore(%run_scoped3A : memref<!tpu.dma_semaphore, #tpu.memory_space<semaphore_mem>>) src(%arg4 : memref<104xi32, #tpu.memory_space<hbm>>) dst(%arg8 : memref<104xi32, #tpu.memory_space<vmem>>)
      tpu.yield
    }) : () -> ()
    %mul3A_1 = arith.constant 512 : i32
    %mul3A_2 = arith.muli %arg1, %mul3A_1 : i32
    "tpu.region"() ({
      %run_scoped3A = tpu.sem_alloc : memref<!tpu.dma_semaphore, #tpu.memory_space<semaphore_mem>>
      %dma_start3A_59 = arith.constant 0 : i32
      %dma_start3A_60 = tpu.memref_slice %arg12[%mul3A_2, %dma_start3A_59] : memref<8192x128xf32, #tpu.memory_space<vmem_shared>> -> memref<512x128xf32, #tpu.memory_space<vmem_shared>>
      tpu.enqueue_dma source(%arg5 : memref<512x128xf32, #tpu.memory_space<hbm>>) target(%dma_start3A_60 : memref<512x128xf32, #tpu.memory_space<vmem_shared>>) target_semaphore(%run_scoped3A : memref<!tpu.dma_semaphore, #tpu.memory_space<semaphore_mem>>)
      %dma_wait3A_61 = arith.constant 0 : i32
      %dma_wait3A_62 = tpu.memref_slice %arg12[%mul3A_2, %dma_wait3A_61] : memref<8192x128xf32, #tpu.memory_space<vmem_shared>> -> memref<512x128xf32, #tpu.memory_space<vmem_shared>>
      tpu.wait_dma2 semaphore(%run_scoped3A : memref<!tpu.dma_semaphore, #tpu.memory_space<semaphore_mem>>) src(%arg5 : memref<512x128xf32, #tpu.memory_space<hbm>>) dst(%dma_wait3A_62 : memref<512x128xf32, #tpu.memory_space<vmem_shared>>)
      tpu.yield
    }) : () -> ()
    %dma_start3A = arith.constant 0 : i32
    %dma_start3A_3 = arith.constant 0 : i32
    %dma_start3A_4 = tpu.memref_slice %arg7[%dma_start3A, %dma_start3A_3] : memref<128x104xi32, #tpu.memory_space<vmem>> -> memref<1x104xi32, #tpu.memory_space<vmem>>
    %dma_start3A_5 = tpu.memref_squeeze %dma_start3A_4 : memref<1x104xi32, #tpu.memory_space<vmem>> -> memref<104xi32, #tpu.memory_space<vmem>>
    %dma_start3A_6 = arith.constant 0 : i32
    %dma_start3A_7 = arith.constant 0 : i32
    %dma_start3A_8 = tpu.memref_slice %arg2[%dma_start3A_6, %dma_start3A_7] : memref<26000x128xf32, #tpu.memory_space<hbm>> -> memref<26000x128xf32, #tpu.memory_space<hbm>>
    tpu.enqueue_indirect_dma source(%dma_start3A_8 : memref<26000x128xf32, #tpu.memory_space<hbm>>) target(%arg9 : memref<104x128xf32, #tpu.memory_space<vmem>>) offsets(%dma_start3A_5 : memref<104xi32, #tpu.memory_space<vmem>>) semaphore(%arg13 : memref<!tpu.dma_semaphore, #tpu.memory_space<semaphore_mem>>)
    %dma_start3A_9 = arith.constant 1 : i32
    %dma_start3A_10 = arith.constant 0 : i32
    %dma_start3A_11 = tpu.memref_slice %arg7[%dma_start3A_9, %dma_start3A_10] : memref<128x104xi32, #tpu.memory_space<vmem>> -> memref<1x104xi32, #tpu.memory_space<vmem>>
    %dma_start3A_12 = tpu.memref_squeeze %dma_start3A_11 : memref<1x104xi32, #tpu.memory_space<vmem>> -> memref<104xi32, #tpu.memory_space<vmem>>
    %dma_start3A_13 = arith.constant 0 : i32
    %dma_start3A_14 = arith.constant 0 : i32
    %dma_start3A_15 = tpu.memref_slice %arg2[%dma_start3A_13, %dma_start3A_14] : memref<26000x128xf32, #tpu.memory_space<hbm>> -> memref<26000x128xf32, #tpu.memory_space<hbm>>
    tpu.enqueue_indirect_dma source(%dma_start3A_15 : memref<26000x128xf32, #tpu.memory_space<hbm>>) target(%arg10 : memref<104x128xf32, #tpu.memory_space<vmem>>) offsets(%dma_start3A_12 : memref<104xi32, #tpu.memory_space<vmem>>) semaphore(%arg14 : memref<!tpu.dma_semaphore, #tpu.memory_space<semaphore_mem>>)
    %dma_start3A_16 = arith.constant 2 : i32
    %dma_start3A_17 = arith.constant 0 : i32
    %dma_start3A_18 = tpu.memref_slice %arg7[%dma_start3A_16, %dma_start3A_17] : memref<128x104xi32, #tpu.memory_space<vmem>> -> memref<1x104xi32, #tpu.memory_space<vmem>>
    %dma_start3A_19 = tpu.memref_squeeze %dma_start3A_18 : memref<1x104xi32, #tpu.memory_space<vmem>> -> memref<104xi32, #tpu.memory_space<vmem>>
    %dma_start3A_20 = arith.constant 0 : i32
    %dma_start3A_21 = arith.constant 0 : i32
    %dma_start3A_22 = tpu.memref_slice %arg2[%dma_start3A_20, %dma_start3A_21] : memref<26000x128xf32, #tpu.memory_space<hbm>> -> memref<26000x128xf32, #tpu.memory_space<hbm>>
    tpu.enqueue_indirect_dma source(%dma_start3A_22 : memref<26000x128xf32, #tpu.memory_space<hbm>>) target(%arg11 : memref<104x128xf32, #tpu.memory_space<vmem>>) offsets(%dma_start3A_19 : memref<104xi32, #tpu.memory_space<vmem>>) semaphore(%arg15 : memref<!tpu.dma_semaphore, #tpu.memory_space<semaphore_mem>>)
    %scan3A = arith.constant 0 : i32
    %scan3A_23 = arith.constant 0 : i32
    %scan3A_24 = arith.constant 42 : i32
    %scan3A_25 = arith.addi %scan3A_23, %scan3A_24 : i32
    %scan3A_26 = arith.constant 1 : i32
    %scan3A_27 = scf.for %scan3A_59 = %scan3A_23 to %scan3A_25 step %scan3A_26 iter_args(%scan3A_60 = %scan3A) -> (i32)  : i32 {
      %mul3A_61 = arith.constant 3 : i32
      %mul3A_62 = arith.muli %scan3A_59, %mul3A_61 : i32
      %add3A_63 = arith.constant 0 : i32
      %add3A_64 = arith.addi %mul3A_62, %add3A_63 : i32
      %dma_wait3A_65 = arith.constant 0 : i32
      %dma_wait3A_66 = tpu.memref_slice %arg7[%add3A_64, %dma_wait3A_65] : memref<128x104xi32, #tpu.memory_space<vmem>> -> memref<1x104xi32, #tpu.memory_space<vmem>>
      %dma_wait3A_67 = tpu.memref_squeeze %dma_wait3A_66 : memref<1x104xi32, #tpu.memory_space<vmem>> -> memref<104xi32, #tpu.memory_space<vmem>>
      %dma_wait3A_68 = arith.constant 0 : i32
      %dma_wait3A_69 = arith.constant 0 : i32
      %dma_wait3A_70 = tpu.memref_slice %arg2[%dma_wait3A_68, %dma_wait3A_69] : memref<26000x128xf32, #tpu.memory_space<hbm>> -> memref<26000x128xf32, #tpu.memory_space<hbm>>
      tpu.wait_indirect_dma semaphore(%arg13 : memref<!tpu.dma_semaphore, #tpu.memory_space<semaphore_mem>>) src(%dma_wait3A_70 : memref<26000x128xf32, #tpu.memory_space<hbm>>) dst(%arg9 : memref<104x128xf32, #tpu.memory_space<vmem>>)
      %mul3A_71 = arith.constant 512 : i32
      %mul3A_72 = arith.muli %arg1, %mul3A_71 : i32
      %add3A_73 = arith.constant 0 : i32
      %add3A_74 = arith.addi %mul3A_62, %add3A_73 : i32
      %mul3A_75 = arith.constant 4 : i32
      %mul3A_76 = arith.muli %add3A_74, %mul3A_75 : i32
      %add3A_77 = arith.addi %mul3A_72, %mul3A_76 : i32
      "tpu.region"() ({
        %run_scoped3A = tpu.sem_alloc : memref<!tpu.dma_semaphore, #tpu.memory_space<semaphore_mem>>
        %dma_start3A_144 = arith.constant 0 : i32
        %dma_start3A_145 = tpu.memref_slice %arg12[%add3A_77, %dma_start3A_144] : memref<8192x128xf32, #tpu.memory_space<vmem_shared>> -> memref<4x128xf32, #tpu.memory_space<vmem_shared>>
        %dma_start3A_146 = arith.constant 0 : i32
        %dma_start3A_147 = arith.constant 0 : i32
        %dma_start3A_148 = tpu.memref_slice %dma_start3A_145[%dma_start3A_146, %dma_start3A_147] : memref<4x128xf32, #tpu.memory_space<vmem_shared>> -> memref<4x128xf32, #tpu.memory_space<vmem_shared>>
        tpu.enqueue_indirect_dma source(%arg9 : memref<104x128xf32, #tpu.memory_space<vmem>>) target(%dma_start3A_148 : memref<4x128xf32, #tpu.memory_space<vmem_shared>>) offsets(%arg8 : memref<104xi32, #tpu.memory_space<vmem>>) semaphore(%run_scoped3A : memref<!tpu.dma_semaphore, #tpu.memory_space<semaphore_mem>>) {add = true}
        %dma_wait3A_149 = arith.constant 0 : i32
        %dma_wait3A_150 = tpu.memref_slice %arg12[%add3A_77, %dma_wait3A_149] : memref<8192x128xf32, #tpu.memory_space<vmem_shared>> -> memref<4x128xf32, #tpu.memory_space<vmem_shared>>
        %dma_wait3A_151 = arith.constant 0 : i32
        %dma_wait3A_152 = arith.constant 0 : i32
        %dma_wait3A_153 = tpu.memref_slice %dma_wait3A_150[%dma_wait3A_151, %dma_wait3A_152] : memref<4x128xf32, #tpu.memory_space<vmem_shared>> -> memref<4x128xf32, #tpu.memory_space<vmem_shared>>
        tpu.wait_indirect_dma semaphore(%run_scoped3A : memref<!tpu.dma_semaphore, #tpu.memory_space<semaphore_mem>>) src(%arg9 : memref<104x128xf32, #tpu.memory_space<vmem>>) dst(%dma_wait3A_153 : memref<4x128xf32, #tpu.memory_space<vmem_shared>>)
        tpu.yield
      }) : () -> ()
      %add3A_78 = arith.constant 3 : i32
      %add3A_79 = arith.addi %mul3A_62, %add3A_78 : i32
      %add3A_80 = arith.constant 0 : i32
      %add3A_81 = arith.addi %add3A_79, %add3A_80 : i32
      %rem3A = arith.constant 128 : i32
      %rem3A_82 = arith.remsi %add3A_81, %rem3A : i32
      %dma_start3A_83 = arith.constant 0 : i32
      %dma_start3A_84 = tpu.memref_slice %arg7[%rem3A_82, %dma_start3A_83] : memref<128x104xi32, #tpu.memory_space<vmem>> -> memref<1x104xi32, #tpu.memory_space<vmem>>
      %dma_start3A_85 = tpu.memref_squeeze %dma_start3A_84 : memref<1x104xi32, #tpu.memory_space<vmem>> -> memref<104xi32, #tpu.memory_space<vmem>>
      %dma_start3A_86 = arith.constant 0 : i32
      %dma_start3A_87 = arith.constant 0 : i32
      %dma_start3A_88 = tpu.memref_slice %arg2[%dma_start3A_86, %dma_start3A_87] : memref<26000x128xf32, #tpu.memory_space<hbm>> -> memref<26000x128xf32, #tpu.memory_space<hbm>>
      tpu.enqueue_indirect_dma source(%dma_start3A_88 : memref<26000x128xf32, #tpu.memory_space<hbm>>) target(%arg9 : memref<104x128xf32, #tpu.memory_space<vmem>>) offsets(%dma_start3A_85 : memref<104xi32, #tpu.memory_space<vmem>>) semaphore(%arg13 : memref<!tpu.dma_semaphore, #tpu.memory_space<semaphore_mem>>)
      %add3A_89 = arith.constant 1 : i32
      %add3A_90 = arith.addi %mul3A_62, %add3A_89 : i32
      %dma_wait3A_91 = arith.constant 0 : i32
      %dma_wait3A_92 = tpu.memref_slice %arg7[%add3A_90, %dma_wait3A_91] : memref<128x104xi32, #tpu.memory_space<vmem>> -> memref<1x104xi32, #tpu.memory_space<vmem>>
      %dma_wait3A_93 = tpu.memref_squeeze %dma_wait3A_92 : memref<1x104xi32, #tpu.memory_space<vmem>> -> memref<104xi32, #tpu.memory_space<vmem>>
      %dma_wait3A_94 = arith.constant 0 : i32
      %dma_wait3A_95 = arith.constant 0 : i32
      %dma_wait3A_96 = tpu.memref_slice %arg2[%dma_wait3A_94, %dma_wait3A_95] : memref<26000x128xf32, #tpu.memory_space<hbm>> -> memref<26000x128xf32, #tpu.memory_space<hbm>>
      tpu.wait_indirect_dma semaphore(%arg14 : memref<!tpu.dma_semaphore, #tpu.memory_space<semaphore_mem>>) src(%dma_wait3A_96 : memref<26000x128xf32, #tpu.memory_space<hbm>>) dst(%arg10 : memref<104x128xf32, #tpu.memory_space<vmem>>)
      %mul3A_97 = arith.constant 512 : i32
      %mul3A_98 = arith.muli %arg1, %mul3A_97 : i32
      %add3A_99 = arith.constant 1 : i32
      %add3A_100 = arith.addi %mul3A_62, %add3A_99 : i32
      %mul3A_101 = arith.constant 4 : i32
      %mul3A_102 = arith.muli %add3A_100, %mul3A_101 : i32
      %add3A_103 = arith.addi %mul3A_98, %mul3A_102 : i32
      "tpu.region"() ({
        %run_scoped3A = tpu.sem_alloc : memref<!tpu.dma_semaphore, #tpu.memory_space<semaphore_mem>>
        %dma_start3A_144 = arith.constant 0 : i32
        %dma_start3A_145 = tpu.memref_slice %arg12[%add3A_103, %dma_start3A_144] : memref<8192x128xf32, #tpu.memory_space<vmem_shared>> -> memref<4x128xf32, #tpu.memory_space<vmem_shared>>
        %dma_start3A_146 = arith.constant 0 : i32
        %dma_start3A_147 = arith.constant 0 : i32
        %dma_start3A_148 = tpu.memref_slice %dma_start3A_145[%dma_start3A_146, %dma_start3A_147] : memref<4x128xf32, #tpu.memory_space<vmem_shared>> -> memref<4x128xf32, #tpu.memory_space<vmem_shared>>
        tpu.enqueue_indirect_dma source(%arg10 : memref<104x128xf32, #tpu.memory_space<vmem>>) target(%dma_start3A_148 : memref<4x128xf32, #tpu.memory_space<vmem_shared>>) offsets(%arg8 : memref<104xi32, #tpu.memory_space<vmem>>) semaphore(%run_scoped3A : memref<!tpu.dma_semaphore, #tpu.memory_space<semaphore_mem>>) {add = true}
        %dma_wait3A_149 = arith.constant 0 : i32
        %dma_wait3A_150 = tpu.memref_slice %arg12[%add3A_103, %dma_wait3A_149] : memref<8192x128xf32, #tpu.memory_space<vmem_shared>> -> memref<4x128xf32, #tpu.memory_space<vmem_shared>>
        %dma_wait3A_151 = arith.constant 0 : i32
        %dma_wait3A_152 = arith.constant 0 : i32
        %dma_wait3A_153 = tpu.memref_slice %dma_wait3A_150[%dma_wait3A_151, %dma_wait3A_152] : memref<4x128xf32, #tpu.memory_space<vmem_shared>> -> memref<4x128xf32, #tpu.memory_space<vmem_shared>>
        tpu.wait_indirect_dma semaphore(%run_scoped3A : memref<!tpu.dma_semaphore, #tpu.memory_space<semaphore_mem>>) src(%arg10 : memref<104x128xf32, #tpu.memory_space<vmem>>) dst(%dma_wait3A_153 : memref<4x128xf32, #tpu.memory_space<vmem_shared>>)
        tpu.yield
      }) : () -> ()
      %add3A_104 = arith.constant 3 : i32
      %add3A_105 = arith.addi %mul3A_62, %add3A_104 : i32
      %add3A_106 = arith.constant 1 : i32
      %add3A_107 = arith.addi %add3A_105, %add3A_106 : i32
      %rem3A_108 = arith.constant 128 : i32
      %rem3A_109 = arith.remsi %add3A_107, %rem3A_108 : i32
      %dma_start3A_110 = arith.constant 0 : i32
      %dma_start3A_111 = tpu.memref_slice %arg7[%rem3A_109, %dma_start3A_110] : memref<128x104xi32, #tpu.memory_space<vmem>> -> memref<1x104xi32, #tpu.memory_space<vmem>>
      %dma_start3A_112 = tpu.memref_squeeze %dma_start3A_111 : memref<1x104xi32, #tpu.memory_space<vmem>> -> memref<104xi32, #tpu.memory_space<vmem>>
      %dma_start3A_113 = arith.constant 0 : i32
      %dma_start3A_114 = arith.constant 0 : i32
      %dma_start3A_115 = tpu.memref_slice %arg2[%dma_start3A_113, %dma_start3A_114] : memref<26000x128xf32, #tpu.memory_space<hbm>> -> memref<26000x128xf32, #tpu.memory_space<hbm>>
      tpu.enqueue_indirect_dma source(%dma_start3A_115 : memref<26000x128xf32, #tpu.memory_space<hbm>>) target(%arg10 : memref<104x128xf32, #tpu.memory_space<vmem>>) offsets(%dma_start3A_112 : memref<104xi32, #tpu.memory_space<vmem>>) semaphore(%arg14 : memref<!tpu.dma_semaphore, #tpu.memory_space<semaphore_mem>>)
      %add3A_116 = arith.constant 2 : i32
      %add3A_117 = arith.addi %mul3A_62, %add3A_116 : i32
      %dma_wait3A_118 = arith.constant 0 : i32
      %dma_wait3A_119 = tpu.memref_slice %arg7[%add3A_117, %dma_wait3A_118] : memref<128x104xi32, #tpu.memory_space<vmem>> -> memref<1x104xi32, #tpu.memory_space<vmem>>
      %dma_wait3A_120 = tpu.memref_squeeze %dma_wait3A_119 : memref<1x104xi32, #tpu.memory_space<vmem>> -> memref<104xi32, #tpu.memory_space<vmem>>
      %dma_wait3A_121 = arith.constant 0 : i32
      %dma_wait3A_122 = arith.constant 0 : i32
      %dma_wait3A_123 = tpu.memref_slice %arg2[%dma_wait3A_121, %dma_wait3A_122] : memref<26000x128xf32, #tpu.memory_space<hbm>> -> memref<26000x128xf32, #tpu.memory_space<hbm>>
      tpu.wait_indirect_dma semaphore(%arg15 : memref<!tpu.dma_semaphore, #tpu.memory_space<semaphore_mem>>) src(%dma_wait3A_123 : memref<26000x128xf32, #tpu.memory_space<hbm>>) dst(%arg11 : memref<104x128xf32, #tpu.memory_space<vmem>>)
      %mul3A_124 = arith.constant 512 : i32
      %mul3A_125 = arith.muli %arg1, %mul3A_124 : i32
      %add3A_126 = arith.constant 2 : i32
      %add3A_127 = arith.addi %mul3A_62, %add3A_126 : i32
      %mul3A_128 = arith.constant 4 : i32
      %mul3A_129 = arith.muli %add3A_127, %mul3A_128 : i32
      %add3A_130 = arith.addi %mul3A_125, %mul3A_129 : i32
      "tpu.region"() ({
        %run_scoped3A = tpu.sem_alloc : memref<!tpu.dma_semaphore, #tpu.memory_space<semaphore_mem>>
        %dma_start3A_144 = arith.constant 0 : i32
        %dma_start3A_145 = tpu.memref_slice %arg12[%add3A_130, %dma_start3A_144] : memref<8192x128xf32, #tpu.memory_space<vmem_shared>> -> memref<4x128xf32, #tpu.memory_space<vmem_shared>>
        %dma_start3A_146 = arith.constant 0 : i32
        %dma_start3A_147 = arith.constant 0 : i32
        %dma_start3A_148 = tpu.memref_slice %dma_start3A_145[%dma_start3A_146, %dma_start3A_147] : memref<4x128xf32, #tpu.memory_space<vmem_shared>> -> memref<4x128xf32, #tpu.memory_space<vmem_shared>>
        tpu.enqueue_indirect_dma source(%arg11 : memref<104x128xf32, #tpu.memory_space<vmem>>) target(%dma_start3A_148 : memref<4x128xf32, #tpu.memory_space<vmem_shared>>) offsets(%arg8 : memref<104xi32, #tpu.memory_space<vmem>>) semaphore(%run_scoped3A : memref<!tpu.dma_semaphore, #tpu.memory_space<semaphore_mem>>) {add = true}
        %dma_wait3A_149 = arith.constant 0 : i32
        %dma_wait3A_150 = tpu.memref_slice %arg12[%add3A_130, %dma_wait3A_149] : memref<8192x128xf32, #tpu.memory_space<vmem_shared>> -> memref<4x128xf32, #tpu.memory_space<vmem_shared>>
        %dma_wait3A_151 = arith.constant 0 : i32
        %dma_wait3A_152 = arith.constant 0 : i32
        %dma_wait3A_153 = tpu.memref_slice %dma_wait3A_150[%dma_wait3A_151, %dma_wait3A_152] : memref<4x128xf32, #tpu.memory_space<vmem_shared>> -> memref<4x128xf32, #tpu.memory_space<vmem_shared>>
        tpu.wait_indirect_dma semaphore(%run_scoped3A : memref<!tpu.dma_semaphore, #tpu.memory_space<semaphore_mem>>) src(%arg11 : memref<104x128xf32, #tpu.memory_space<vmem>>) dst(%dma_wait3A_153 : memref<4x128xf32, #tpu.memory_space<vmem_shared>>)
        tpu.yield
      }) : () -> ()
      %add3A_131 = arith.constant 3 : i32
      %add3A_132 = arith.addi %mul3A_62, %add3A_131 : i32
      %add3A_133 = arith.constant 2 : i32
      %add3A_134 = arith.addi %add3A_132, %add3A_133 : i32
      %rem3A_135 = arith.constant 128 : i32
      %rem3A_136 = arith.remsi %add3A_134, %rem3A_135 : i32
      %dma_start3A_137 = arith.constant 0 : i32
      %dma_start3A_138 = tpu.memref_slice %arg7[%rem3A_136, %dma_start3A_137] : memref<128x104xi32, #tpu.memory_space<vmem>> -> memref<1x104xi32, #tpu.memory_space<vmem>>
      %dma_start3A_139 = tpu.memref_squeeze %dma_start3A_138 : memref<1x104xi32, #tpu.memory_space<vmem>> -> memref<104xi32, #tpu.memory_space<vmem>>
      %dma_start3A_140 = arith.constant 0 : i32
      %dma_start3A_141 = arith.constant 0 : i32
      %dma_start3A_142 = tpu.memref_slice %arg2[%dma_start3A_140, %dma_start3A_141] : memref<26000x128xf32, #tpu.memory_space<hbm>> -> memref<26000x128xf32, #tpu.memory_space<hbm>>
      tpu.enqueue_indirect_dma source(%dma_start3A_142 : memref<26000x128xf32, #tpu.memory_space<hbm>>) target(%arg11 : memref<104x128xf32, #tpu.memory_space<vmem>>) offsets(%dma_start3A_139 : memref<104xi32, #tpu.memory_space<vmem>>) semaphore(%arg15 : memref<!tpu.dma_semaphore, #tpu.memory_space<semaphore_mem>>)
      %scan3A_143 = arith.constant 0 : i32
      scf.yield %scan3A_143 : i32
    }
    %scan3A_28 = arith.constant 42 : i32
    %dma_wait3A = arith.constant 0 : i32
    %dma_wait3A_29 = arith.constant 0 : i32
    %dma_wait3A_30 = tpu.memref_slice %arg7[%dma_wait3A, %dma_wait3A_29] : memref<128x104xi32, #tpu.memory_space<vmem>> -> memref<1x104xi32, #tpu.memory_space<vmem>>
    %dma_wait3A_31 = tpu.memref_squeeze %dma_wait3A_30 : memref<1x104xi32, #tpu.memory_space<vmem>> -> memref<104xi32, #tpu.memory_space<vmem>>
    %dma_wait3A_32 = arith.constant 0 : i32
    %dma_wait3A_33 = arith.constant 0 : i32
    %dma_wait3A_34 = tpu.memref_slice %arg2[%dma_wait3A_32, %dma_wait3A_33] : memref<26000x128xf32, #tpu.memory_space<hbm>> -> memref<26000x128xf32, #tpu.memory_space<hbm>>
    tpu.wait_indirect_dma semaphore(%arg13 : memref<!tpu.dma_semaphore, #tpu.memory_space<semaphore_mem>>) src(%dma_wait3A_34 : memref<26000x128xf32, #tpu.memory_space<hbm>>) dst(%arg9 : memref<104x128xf32, #tpu.memory_space<vmem>>)
    %mul3A_35 = arith.constant 512 : i32
    %mul3A_36 = arith.muli %arg1, %mul3A_35 : i32
    %add3A_37 = arith.constant 504 : i32
    %add3A_38 = arith.addi %mul3A_36, %add3A_37 : i32
    "tpu.region"() ({
      %run_scoped3A = tpu.sem_alloc : memref<!tpu.dma_semaphore, #tpu.memory_space<semaphore_mem>>
      %dma_start3A_59 = arith.constant 0 : i32
      %dma_start3A_60 = tpu.memref_slice %arg12[%add3A_38, %dma_start3A_59] : memref<8192x128xf32, #tpu.memory_space<vmem_shared>> -> memref<4x128xf32, #tpu.memory_space<vmem_shared>>
      %dma_start3A_61 = arith.constant 0 : i32
      %dma_start3A_62 = arith.constant 0 : i32
      %dma_start3A_63 = tpu.memref_slice %dma_start3A_60[%dma_start3A_61, %dma_start3A_62] : memref<4x128xf32, #tpu.memory_space<vmem_shared>> -> memref<4x128xf32, #tpu.memory_space<vmem_shared>>
      tpu.enqueue_indirect_dma source(%arg9 : memref<104x128xf32, #tpu.memory_space<vmem>>) target(%dma_start3A_63 : memref<4x128xf32, #tpu.memory_space<vmem_shared>>) offsets(%arg8 : memref<104xi32, #tpu.memory_space<vmem>>) semaphore(%run_scoped3A : memref<!tpu.dma_semaphore, #tpu.memory_space<semaphore_mem>>) {add = true}
      %dma_wait3A_64 = arith.constant 0 : i32
      %dma_wait3A_65 = tpu.memref_slice %arg12[%add3A_38, %dma_wait3A_64] : memref<8192x128xf32, #tpu.memory_space<vmem_shared>> -> memref<4x128xf32, #tpu.memory_space<vmem_shared>>
      %dma_wait3A_66 = arith.constant 0 : i32
      %dma_wait3A_67 = arith.constant 0 : i32
      %dma_wait3A_68 = tpu.memref_slice %dma_wait3A_65[%dma_wait3A_66, %dma_wait3A_67] : memref<4x128xf32, #tpu.memory_space<vmem_shared>> -> memref<4x128xf32, #tpu.memory_space<vmem_shared>>
      tpu.wait_indirect_dma semaphore(%run_scoped3A : memref<!tpu.dma_semaphore, #tpu.memory_space<semaphore_mem>>) src(%arg9 : memref<104x128xf32, #tpu.memory_space<vmem>>) dst(%dma_wait3A_68 : memref<4x128xf32, #tpu.memory_space<vmem_shared>>)
      tpu.yield
    }) : () -> ()
    %dma_wait3A_39 = arith.constant 1 : i32
    %dma_wait3A_40 = arith.constant 0 : i32
    %dma_wait3A_41 = tpu.memref_slice %arg7[%dma_wait3A_39, %dma_wait3A_40] : memref<128x104xi32, #tpu.memory_space<vmem>> -> memref<1x104xi32, #tpu.memory_space<vmem>>
    %dma_wait3A_42 = tpu.memref_squeeze %dma_wait3A_41 : memref<1x104xi32, #tpu.memory_space<vmem>> -> memref<104xi32, #tpu.memory_space<vmem>>
    %dma_wait3A_43 = arith.constant 0 : i32
    %dma_wait3A_44 = arith.constant 0 : i32
    %dma_wait3A_45 = tpu.memref_slice %arg2[%dma_wait3A_43, %dma_wait3A_44] : memref<26000x128xf32, #tpu.memory_space<hbm>> -> memref<26000x128xf32, #tpu.memory_space<hbm>>
    tpu.wait_indirect_dma semaphore(%arg14 : memref<!tpu.dma_semaphore, #tpu.memory_space<semaphore_mem>>) src(%dma_wait3A_45 : memref<26000x128xf32, #tpu.memory_space<hbm>>) dst(%arg10 : memref<104x128xf32, #tpu.memory_space<vmem>>)
    %mul3A_46 = arith.constant 512 : i32
    %mul3A_47 = arith.muli %arg1, %mul3A_46 : i32
    %add3A_48 = arith.constant 508 : i32
    %add3A_49 = arith.addi %mul3A_47, %add3A_48 : i32
    "tpu.region"() ({
      %run_scoped3A = tpu.sem_alloc : memref<!tpu.dma_semaphore, #tpu.memory_space<semaphore_mem>>
      %dma_start3A_59 = arith.constant 0 : i32
      %dma_start3A_60 = tpu.memref_slice %arg12[%add3A_49, %dma_start3A_59] : memref<8192x128xf32, #tpu.memory_space<vmem_shared>> -> memref<4x128xf32, #tpu.memory_space<vmem_shared>>
      %dma_start3A_61 = arith.constant 0 : i32
      %dma_start3A_62 = arith.constant 0 : i32
      %dma_start3A_63 = tpu.memref_slice %dma_start3A_60[%dma_start3A_61, %dma_start3A_62] : memref<4x128xf32, #tpu.memory_space<vmem_shared>> -> memref<4x128xf32, #tpu.memory_space<vmem_shared>>
      tpu.enqueue_indirect_dma source(%arg10 : memref<104x128xf32, #tpu.memory_space<vmem>>) target(%dma_start3A_63 : memref<4x128xf32, #tpu.memory_space<vmem_shared>>) offsets(%arg8 : memref<104xi32, #tpu.memory_space<vmem>>) semaphore(%run_scoped3A : memref<!tpu.dma_semaphore, #tpu.memory_space<semaphore_mem>>) {add = true}
      %dma_wait3A_64 = arith.constant 0 : i32
      %dma_wait3A_65 = tpu.memref_slice %arg12[%add3A_49, %dma_wait3A_64] : memref<8192x128xf32, #tpu.memory_space<vmem_shared>> -> memref<4x128xf32, #tpu.memory_space<vmem_shared>>
      %dma_wait3A_66 = arith.constant 0 : i32
      %dma_wait3A_67 = arith.constant 0 : i32
      %dma_wait3A_68 = tpu.memref_slice %dma_wait3A_65[%dma_wait3A_66, %dma_wait3A_67] : memref<4x128xf32, #tpu.memory_space<vmem_shared>> -> memref<4x128xf32, #tpu.memory_space<vmem_shared>>
      tpu.wait_indirect_dma semaphore(%run_scoped3A : memref<!tpu.dma_semaphore, #tpu.memory_space<semaphore_mem>>) src(%arg10 : memref<104x128xf32, #tpu.memory_space<vmem>>) dst(%dma_wait3A_68 : memref<4x128xf32, #tpu.memory_space<vmem_shared>>)
      tpu.yield
    }) : () -> ()
    %dma_wait3A_50 = arith.constant 2 : i32
    %dma_wait3A_51 = arith.constant 0 : i32
    %dma_wait3A_52 = tpu.memref_slice %arg7[%dma_wait3A_50, %dma_wait3A_51] : memref<128x104xi32, #tpu.memory_space<vmem>> -> memref<1x104xi32, #tpu.memory_space<vmem>>
    %dma_wait3A_53 = tpu.memref_squeeze %dma_wait3A_52 : memref<1x104xi32, #tpu.memory_space<vmem>> -> memref<104xi32, #tpu.memory_space<vmem>>
    %dma_wait3A_54 = arith.constant 0 : i32
    %dma_wait3A_55 = arith.constant 0 : i32
    %dma_wait3A_56 = tpu.memref_slice %arg2[%dma_wait3A_54, %dma_wait3A_55] : memref<26000x128xf32, #tpu.memory_space<hbm>> -> memref<26000x128xf32, #tpu.memory_space<hbm>>
    tpu.wait_indirect_dma semaphore(%arg15 : memref<!tpu.dma_semaphore, #tpu.memory_space<semaphore_mem>>) src(%dma_wait3A_56 : memref<26000x128xf32, #tpu.memory_space<hbm>>) dst(%arg11 : memref<104x128xf32, #tpu.memory_space<vmem>>)
    %mul3A_57 = arith.constant 512 : i32
    %mul3A_58 = arith.muli %add3A, %mul3A_57 : i32
    "tpu.region"() ({
      %run_scoped3A = tpu.sem_alloc : memref<!tpu.dma_semaphore, #tpu.memory_space<semaphore_mem>>
      %dma_start3A_59 = arith.constant 0 : i32
      %dma_start3A_60 = tpu.memref_slice %arg6[%mul3A_58, %dma_start3A_59] : memref<16384x128xf32, #tpu.memory_space<hbm>> -> memref<512x128xf32, #tpu.memory_space<hbm>>
      %dma_start3A_61 = arith.constant 0 : i32
      %dma_start3A_62 = tpu.memref_slice %arg12[%mul3A_2, %dma_start3A_61] : memref<8192x128xf32, #tpu.memory_space<vmem_shared>> -> memref<512x128xf32, #tpu.memory_space<vmem_shared>>
      tpu.enqueue_dma source(%dma_start3A_62 : memref<512x128xf32, #tpu.memory_space<vmem_shared>>) target(%dma_start3A_60 : memref<512x128xf32, #tpu.memory_space<hbm>>) target_semaphore(%run_scoped3A : memref<!tpu.dma_semaphore, #tpu.memory_space<semaphore_mem>>)
      %dma_wait3A_63 = arith.constant 0 : i32
      %dma_wait3A_64 = tpu.memref_slice %arg6[%mul3A_58, %dma_wait3A_63] : memref<16384x128xf32, #tpu.memory_space<hbm>> -> memref<512x128xf32, #tpu.memory_space<hbm>>
      %dma_wait3A_65 = arith.constant 0 : i32
      %dma_wait3A_66 = tpu.memref_slice %arg12[%mul3A_2, %dma_wait3A_65] : memref<8192x128xf32, #tpu.memory_space<vmem_shared>> -> memref<512x128xf32, #tpu.memory_space<vmem_shared>>
      tpu.wait_dma2 semaphore(%run_scoped3A : memref<!tpu.dma_semaphore, #tpu.memory_space<semaphore_mem>>) src(%dma_wait3A_66 : memref<512x128xf32, #tpu.memory_space<vmem_shared>>) dst(%dma_wait3A_64 : memref<512x128xf32, #tpu.memory_space<hbm>>)
      tpu.yield
    }) : () -> ()
    return
  }
}

module attributes {stable_mosaic.version = 14 : i64} {
  func.func @_fold_body(%arg0: i32, %arg1: memref<1x1000x50xf32, #tpu.memory_space<vmem>>, %arg2: memref<1x50x128xf32, #tpu.memory_space<vmem>>, %arg3: memref<1000x128xf32, #tpu.memory_space<vmem>>) attributes {dimension_semantics = [#tpu.dimension_semantics<arbitrary>], iteration_bounds = array<i64: 26>, scalar_prefetch = 0 : i64, scratch_operands = 0 : i64, tpu.core_type = #tpu.core_type<tc>, window_params = [{transform_indices = @transform_0, window_bounds = array<i64: 1, 1000, 50>}, {transform_indices = @transform_1, window_bounds = array<i64: 1, 50, 128>}, {transform_indices = @transform_2, window_bounds = array<i64: 1000, 128>}]} {
    %get3A = arith.constant 0 : index
    %get3A_0 = arith.constant 0 : index
    %get3A_1 = arith.constant 0 : index
    %get3A_2 = vector.load %arg1[%get3A, %get3A_0, %get3A_1] : memref<1x1000x50xf32, #tpu.memory_space<vmem>>, vector<1x1000x50xf32>
    %get3A_3 = vector.shape_cast %get3A_2 : vector<1x1000x50xf32> to vector<1000x50xf32>
    %get3A_4 = arith.constant 0 : index
    %get3A_5 = arith.constant 0 : index
    %get3A_6 = arith.constant 0 : index
    %get3A_7 = vector.load %arg2[%get3A_4, %get3A_5, %get3A_6] : memref<1x50x128xf32, #tpu.memory_space<vmem>>, vector<1x50x128xf32>
    %get3A_8 = vector.shape_cast %get3A_7 : vector<1x50x128xf32> to vector<50x128xf32>
    %dot_general3A = arith.constant dense<0.000000e+00> : vector<1000x128xf32>
    %dot_general3A_9 = tpu.matmul %get3A_3, %get3A_8, %dot_general3A {dimension_numbers = #tpu.dot_dimension_numbers<[1], [0], [0], [1], [0, 0, 1, 1], [], []>, transpose_lhs_hint = false} : vector<1000x50xf32>, vector<50x128xf32>, vector<1000x128xf32> -> vector<1000x128xf32>
    %swap3A = arith.constant 0 : index
    %swap3A_10 = arith.constant 0 : index
    %swap3A_11 = vector.load %arg3[%swap3A, %swap3A_10] : memref<1000x128xf32, #tpu.memory_space<vmem>>, vector<1000x128xf32>
    tpu.vector_store %arg3[%swap3A, %swap3A_10], %dot_general3A_9 {strides = array<i32>} : memref<1000x128xf32, #tpu.memory_space<vmem>>, vector<1000x128xf32>,
    return
  }
  func.func @transform_0(%arg0: i32) -> (i32, i32, i32) {
    %c0_i32 = arith.constant 0 : i32
    %c0_i32_0 = arith.constant 0 : i32
    %c0_i32_1 = arith.constant 0 : i32
    return %arg0, %c0_i32, %c0_i32_0 : i32, i32, i32
  }
  func.func @transform_1(%arg0: i32) -> (i32, i32, i32) {
    %c0_i32 = arith.constant 0 : i32
    %c0_i32_0 = arith.constant 0 : i32
    %c0_i32_1 = arith.constant 0 : i32
    return %arg0, %c0_i32, %c0_i32_0 : i32, i32, i32
  }
  func.func @transform_2(%arg0: i32) -> (i32, i32) {
    %c0_i32 = arith.constant 0 : i32
    %c0_i32_0 = arith.constant 0 : i32
    return %arg0, %c0_i32 : i32, i32
  }
}

module attributes {stable_mosaic.version = 14 : i64} {
  func.func @_mlp_body(%arg0: i32, %arg1: memref<4096x128xf32, #tpu.memory_space<vmem>>, %arg2: memref<4096x13xf32, #tpu.memory_space<vmem>>, %arg3: memref<13x128xf32, #tpu.memory_space<vmem>>, %arg4: memref<128xf32, #tpu.memory_space<vmem>>, %arg5: memref<128x64xf32, #tpu.memory_space<vmem>>, %arg6: memref<64xf32, #tpu.memory_space<vmem>>, %arg7: memref<64x32xf32, #tpu.memory_space<vmem>>, %arg8: memref<32xf32, #tpu.memory_space<vmem>>, %arg9: memref<32x1xf32, #tpu.memory_space<vmem>>, %arg10: memref<1xf32, #tpu.memory_space<vmem>>, %arg11: memref<4096x1xf32, #tpu.memory_space<vmem>>) attributes {dimension_semantics = [#tpu.dimension_semantics<arbitrary>], iteration_bounds = array<i64: 4>, scalar_prefetch = 0 : i64, scratch_operands = 0 : i64, tpu.core_type = #tpu.core_type<tc>, window_params = [{transform_indices = @transform_0, window_bounds = array<i64: 4096, 128>}, {transform_indices = @transform_1, window_bounds = array<i64: 4096, 13>}, {pipeline_mode = #tpu.pipeline_mode<synchronous>, transform_indices = @transform_2, window_bounds = array<i64: 13, 128>}, {pipeline_mode = #tpu.pipeline_mode<synchronous>, transform_indices = @transform_3, window_bounds = array<i64: 128>}, {pipeline_mode = #tpu.pipeline_mode<synchronous>, transform_indices = @transform_4, window_bounds = array<i64: 128, 64>}, {pipeline_mode = #tpu.pipeline_mode<synchronous>, transform_indices = @transform_5, window_bounds = array<i64: 64>}, {pipeline_mode = #tpu.pipeline_mode<synchronous>, transform_indices = @transform_6, window_bounds = array<i64: 64, 32>}, {pipeline_mode = #tpu.pipeline_mode<synchronous>, transform_indices = @transform_7, window_bounds = array<i64: 32>}, {pipeline_mode = #tpu.pipeline_mode<synchronous>, transform_indices = @transform_8, window_bounds = array<i64: 32, 1>}, {pipeline_mode = #tpu.pipeline_mode<synchronous>, transform_indices = @transform_9, window_bounds = array<i64: 1>}, {transform_indices = @transform_10, window_bounds = array<i64: 4096, 1>}]} {
    %get3A = arith.constant 0 : index
    %get3A_0 = arith.constant 0 : index
    %get3A_1 = vector.load %arg1[%get3A, %get3A_0] : memref<4096x128xf32, #tpu.memory_space<vmem>>, vector<4096x128xf32>
    %get3A_2 = arith.constant 0 : index
    %get3A_3 = arith.constant 0 : index
    %get3A_4 = vector.load %arg2[%get3A_2, %get3A_3] : memref<4096x13xf32, #tpu.memory_space<vmem>>, vector<4096x13xf32>
    %get3A_5 = arith.constant 0 : index
    %get3A_6 = arith.constant 0 : index
    %get3A_7 = vector.load %arg3[%get3A_5, %get3A_6] : memref<13x128xf32, #tpu.memory_space<vmem>>, vector<13x128xf32>
    %dot_general3A = arith.constant dense<0.000000e+00> : vector<4096x128xf32>
    %dot_general3A_8 = tpu.matmul %get3A_4, %get3A_7, %dot_general3A {dimension_numbers = #tpu.dot_dimension_numbers<[1], [0], [0], [1], [0, 0, 1, 1], [], []>, transpose_lhs_hint = false} : vector<4096x13xf32>, vector<13x128xf32>, vector<4096x128xf32> -> vector<4096x128xf32>
    %add3A = arith.addf %get3A_1, %dot_general3A_8 : vector<4096x128xf32>
    %get3A_9 = arith.constant 0 : index
    %get3A_10 = vector.load %arg4[%get3A_9] : memref<128xf32, #tpu.memory_space<vmem>>, vector<128xf32>
    %broadcast_in_dim3A = vector.shape_cast %get3A_10 : vector<128xf32> to vector<1x128xf32>
    %add3A_11 = vector.broadcast %broadcast_in_dim3A : vector<1x128xf32> to vector<4096x128xf32>
    %add3A_12 = arith.addf %add3A, %add3A_11 : vector<4096x128xf32>
    %max3A = arith.constant 0.000000e+00 : f32
    %max3A_13 = vector.broadcast %max3A : f32 to vector<4096x128xf32>
    %max3A_14 = arith.maximumf %add3A_12, %max3A_13 : vector<4096x128xf32>
    %get3A_15 = arith.constant 0 : index
    %get3A_16 = arith.constant 0 : index
    %get3A_17 = vector.load %arg5[%get3A_15, %get3A_16] : memref<128x64xf32, #tpu.memory_space<vmem>>, vector<128x64xf32>
    %dot_general3A_18 = arith.constant dense<0.000000e+00> : vector<4096x64xf32>
    %dot_general3A_19 = tpu.matmul %max3A_14, %get3A_17, %dot_general3A_18 {dimension_numbers = #tpu.dot_dimension_numbers<[1], [0], [0], [1], [0, 0, 1, 1], [], []>, transpose_lhs_hint = false} : vector<4096x128xf32>, vector<128x64xf32>, vector<4096x64xf32> -> vector<4096x64xf32>
    %get3A_20 = arith.constant 0 : index
    %get3A_21 = vector.load %arg6[%get3A_20] : memref<64xf32, #tpu.memory_space<vmem>>, vector<64xf32>
    %broadcast_in_dim3A_22 = vector.shape_cast %get3A_21 : vector<64xf32> to vector<1x64xf32>
    %add3A_23 = vector.broadcast %broadcast_in_dim3A_22 : vector<1x64xf32> to vector<4096x64xf32>
    %add3A_24 = arith.addf %dot_general3A_19, %add3A_23 : vector<4096x64xf32>
    %max3A_25 = arith.constant 0.000000e+00 : f32
    %max3A_26 = vector.broadcast %max3A_25 : f32 to vector<4096x64xf32>
    %max3A_27 = arith.maximumf %add3A_24, %max3A_26 : vector<4096x64xf32>
    %get3A_28 = arith.constant 0 : index
    %get3A_29 = arith.constant 0 : index
    %get3A_30 = vector.load %arg7[%get3A_28, %get3A_29] : memref<64x32xf32, #tpu.memory_space<vmem>>, vector<64x32xf32>
    %dot_general3A_31 = arith.constant dense<0.000000e+00> : vector<4096x32xf32>
    %dot_general3A_32 = tpu.matmul %max3A_27, %get3A_30, %dot_general3A_31 {dimension_numbers = #tpu.dot_dimension_numbers<[1], [0], [0], [1], [0, 0, 1, 1], [], []>, transpose_lhs_hint = false} : vector<4096x64xf32>, vector<64x32xf32>, vector<4096x32xf32> -> vector<4096x32xf32>
    %get3A_33 = arith.constant 0 : index
    %get3A_34 = vector.load %arg8[%get3A_33] : memref<32xf32, #tpu.memory_space<vmem>>, vector<32xf32>
    %broadcast_in_dim3A_35 = vector.shape_cast %get3A_34 : vector<32xf32> to vector<1x32xf32>
    %add3A_36 = vector.broadcast %broadcast_in_dim3A_35 : vector<1x32xf32> to vector<4096x32xf32>
    %add3A_37 = arith.addf %dot_general3A_32, %add3A_36 : vector<4096x32xf32>
    %max3A_38 = arith.constant 0.000000e+00 : f32
    %max3A_39 = vector.broadcast %max3A_38 : f32 to vector<4096x32xf32>
    %max3A_40 = arith.maximumf %add3A_37, %max3A_39 : vector<4096x32xf32>
    %get3A_41 = arith.constant 0 : index
    %get3A_42 = arith.constant 0 : index
    %get3A_43 = vector.load %arg9[%get3A_41, %get3A_42] : memref<32x1xf32, #tpu.memory_space<vmem>>, vector<32x1xf32>
    %dot_general3A_44 = arith.constant dense<0.000000e+00> : vector<4096x1xf32>
    %dot_general3A_45 = tpu.matmul %max3A_40, %get3A_43, %dot_general3A_44 {dimension_numbers = #tpu.dot_dimension_numbers<[1], [0], [0], [1], [0, 0, 1, 1], [], []>, transpose_lhs_hint = false} : vector<4096x32xf32>, vector<32x1xf32>, vector<4096x1xf32> -> vector<4096x1xf32>
    %get3A_46 = arith.constant 0 : index
    %get3A_47 = vector.load %arg10[%get3A_46] : memref<1xf32, #tpu.memory_space<vmem>>, vector<1xf32>
    %broadcast_in_dim3A_48 = vector.shape_cast %get3A_47 : vector<1xf32> to vector<1x1xf32>
    %add3A_49 = vector.broadcast %broadcast_in_dim3A_48 : vector<1x1xf32> to vector<4096x1xf32>
    %add3A_50 = arith.addf %dot_general3A_45, %add3A_49 : vector<4096x1xf32>
    %swap3A = arith.constant 0 : index
    %swap3A_51 = arith.constant 0 : index
    %swap3A_52 = vector.load %arg11[%swap3A, %swap3A_51] : memref<4096x1xf32, #tpu.memory_space<vmem>>, vector<4096x1xf32>
    tpu.vector_store %arg11[%swap3A, %swap3A_51], %add3A_50 {strides = array<i32>} : memref<4096x1xf32, #tpu.memory_space<vmem>>, vector<4096x1xf32>,
    return
  }
  func.func @transform_0(%arg0: i32) -> (i32, i32) {
    %c0_i32 = arith.constant 0 : i32
    %c0_i32_0 = arith.constant 0 : i32
    return %arg0, %c0_i32 : i32, i32
  }
  func.func @transform_1(%arg0: i32) -> (i32, i32) {
    %c0_i32 = arith.constant 0 : i32
    %c0_i32_0 = arith.constant 0 : i32
    return %arg0, %c0_i32 : i32, i32
  }
  func.func @transform_2(%arg0: i32) -> (i32, i32) {
    %c0_i32 = arith.constant 0 : i32
    %c0_i32_0 = arith.constant 0 : i32
    %c0_i32_1 = arith.constant 0 : i32
    return %c0_i32, %c0_i32_0 : i32, i32
  }
  func.func @transform_3(%arg0: i32) -> i32 {
    %c0_i32 = arith.constant 0 : i32
    %c0_i32_0 = arith.constant 0 : i32
    return %c0_i32 : i32
  }
  func.func @transform_4(%arg0: i32) -> (i32, i32) {
    %c0_i32 = arith.constant 0 : i32
    %c0_i32_0 = arith.constant 0 : i32
    %c0_i32_1 = arith.constant 0 : i32
    return %c0_i32, %c0_i32_0 : i32, i32
  }
  func.func @transform_5(%arg0: i32) -> i32 {
    %c0_i32 = arith.constant 0 : i32
    %c0_i32_0 = arith.constant 0 : i32
    return %c0_i32 : i32
  }
  func.func @transform_6(%arg0: i32) -> (i32, i32) {
    %c0_i32 = arith.constant 0 : i32
    %c0_i32_0 = arith.constant 0 : i32
    %c0_i32_1 = arith.constant 0 : i32
    return %c0_i32, %c0_i32_0 : i32, i32
  }
  func.func @transform_7(%arg0: i32) -> i32 {
    %c0_i32 = arith.constant 0 : i32
    %c0_i32_0 = arith.constant 0 : i32
    return %c0_i32 : i32
  }
  func.func @transform_8(%arg0: i32) -> (i32, i32) {
    %c0_i32 = arith.constant 0 : i32
    %c0_i32_0 = arith.constant 0 : i32
    %c0_i32_1 = arith.constant 0 : i32
    return %c0_i32, %c0_i32_0 : i32, i32
  }
  func.func @transform_9(%arg0: i32) -> i32 {
    %c0_i32 = arith.constant 0 : i32
    %c0_i32_0 = arith.constant 0 : i32
    return %c0_i32 : i32
  }
  func.func @transform_10(%arg0: i32) -> (i32, i32) {
    %c0_i32 = arith.constant 0 : i32
    %c0_i32_0 = arith.constant 0 : i32
    return %arg0, %c0_i32 : i32, i32
  }
}

</mosaic_0001>

<sc_bundles>
// kernel: kernel.5.cloned.1.call-start
scs
__scs_entry_jumppad:
0x0: {  	(pc) =	sbr.rel $0x88, $3  }
0x1: {  	(tag) =	ssettag $0x0;
	lr =	simm.s32 $0x1  }
0x2: {  	[smem:$0x3F96] =	sst lr;
	_ =	strace $0xD0000000  }
0x3: {  	_ = 	snop  }
0x4: {  	_ = 	snop  }
0x5: {  	_ = 	snop  }
0x6: {  	_ = 	snop  }
0x7: {  	_ = 	snop  }
__scs_overlays_trampoline_lowered:
0x8: {  	[smem:$0x3FA5] =	sst s0  }
0x9: {  	[smem:$0x3FA6] =	sst s1  }
0xa: {  	[smem:$0x3FA7] =	sst s2  }
0xb: {  	[smem:$0x3FA8] =	sst s3  }
0xc: {  	[smem:$0x3FA9] =	sst s4  }
0xd: {  	[smem:$0x3FAA] =	sst s5  }
0xe: {  	[smem:$0x3FAB] =	sst s6  }
0xf: {  	[smem:$0x3FAC] =	sst s7  }
0x10: {  	[smem:$0x3FAD] =	sst s8  }
0x11: {  	[smem:$0x3FAE] =	sst s9;
	s0 =	simm.s32 @!p0 $0x0  }
0x12: {  	s1 =	sld [smem:$0x3F94];
	s0 =	simm.s32 @p0 $0x1  }
0x13: {  	[smem:$0x3FAF] =	sst s0;
	s0 =	simm.s32 @!p1 $0x0  }
0x14: {  	s2 =	sld [smem:$0x3F93];
	s0 =	simm.s32 @p1 $0x1  }
0x15: {  	[smem:$0x3FB0] =	sst s0;
	s0 =	simm.s32 @!p2 $0x0  }
0x16: {  	s3 =	sld [smem:$0x3FDB];
	s0 =	simm.s32 @p2 $0x1  }
0x17: {  	s4 =	simm.s32 $0x1BF5;
	[smem:$0x3FB2] =	sst s0  }
0x18: {  	s0 =	sld [smem:$0x3F95];
	_ =	swait.ge [sflag:s4], $0x0  }
0x19: {  	s7 =	sld [smem:$0x3F96]  }
0x1a: {  	s8 =	sadd.s32 $0xFFFFE003, lr  }
0x1b: {  	s9 =	sadd.s32 $0xFFFFFEF7, lr;
	s5 =	simm.s32 $0xFFFFFFFF;
	p2 =	slt.u32 s8, $0xFFFFF086  }
0x1c: {  	p1 =	slt.u32 s9, $0xF7A;
	s5 =	simm.s32 @!p2 $0x0  }
0x1d: {  	s5 =	simm.s32 @p1 $0x1;
	p0 =	seq.s32 s7, s2  }
0x1e: {  	s7 =	smul.u32 @!p0 $0xF7A, s2;
	p2 =	seq.s32 @!p0 s5, $0x0  }
0x1f: {  	s9 =	smul.u32 $0xF7A, s1;
	s8 =	simm.s32 @!p0 $0x1BF5;
	p2 =	por !p2, p0  }
0x20: {  	[sflag:s8] =	ssyncset.s32 @!p0 $0xFFFFF086;
	s6 =	sadd.s32 @!p0 s3, s7;
	s7 =	simm.s32 @!p0 $0x108  }
0x21: {  	s3 =	sadd.s32 s3, s9;
	s6 =	sadd.s32 @!p0 $0x88, s6;
	s7 =	simm.s32 @p2 $0x1082  }
0x22: {  	[simem:s7], [sflag:s8] =	dma.local @!p0 [hbm:s6], $0xF7A  }
0x23: {  	s9 =	sor.u32 $0xD0000000, s2;
	s6 =	simm.s32 $0x108;
	_ =	swait.ge @!p0 [sflag:s8], $0x0  }
0x24: {  	s3 =	sadd.s32 $0x88, s3;
	s6 =	simm.s32 @!p1 $0x1082;
	[sflag:s4] =	ssyncset.s32 $0xFFFFF086  }
0x25: {  	[simem:s6], [sflag:s4] =	dma.local [hbm:s3], $0xF7A  }
0x26: {  	[smem:$0x3F96] =	sst s1;
	(tag) =	ssettag s2;
	_ =	strace s9  }
0x27: {  	s1 =	sld [smem:$0x3FA6]  }
0x28: {  	s2 =	sld [smem:$0x3FA7]  }
0x29: {  	s4 =	sld [smem:$0x3FA9]  }
0x2a: {  	p0 =	seq.s32 s5, $0x0;
	s5 =	sld [smem:$0x3FAA]  }
0x2b: {  	s6 =	sld [smem:$0x3FAB]  }
0x2c: {  	s7 =	sld [smem:$0x3FAC]  }
0x2d: {  	s3 =	simm.s32 $0x108;
	s8 =	sld [smem:$0x3FAD]  }
0x2e: {  	s3 =	simm.s32 @!p0 $0x1082;
	s9 =	sld [smem:$0x3FAE]  }
0x2f: {  	lr =	sadd.s32 s0, s3;
	s0 =	sld [smem:$0x3FA5]  }
0x30: {  	s3 =	sld [smem:$0x3FA8]  }
0x31: {  	[smem:$0x3FB1] =	sst s10  }
0x32: {  	s10 =	sld [smem:$0x3FAF];
	_ =	sdelay $0x3  }
0x33: {  	p0 =	seq.s32 s10, $0x1;
	s10 =	sld [smem:$0x3FB1];
	_ =	sdelay $0x3  }
0x34: {  	[smem:$0x3FB1] =	sst s10  }
0x35: {  	s10 =	sld [smem:$0x3FB0];
	_ =	sdelay $0x3  }
0x36: {  	p1 =	seq.s32 s10, $0x1;
	s10 =	sld [smem:$0x3FB1];
	_ =	sdelay $0x3  }
0x37: {  	[smem:$0x3FB1] =	sst s10  }
0x38: {  	s10 =	sld [smem:$0x3FB2]  }
0x39: {  	_ = 	snop;
	(pc) =	sbr.ind lr, $3  }
0x3a: {  	_ = 	snop  }
0x3b: {  	_ = 	snop  }
0x3c: {  	p2 =	seq.s32 s10, $0x1;
	s10 =	sld [smem:$0x3FB1]  }
0x3d: {  	_ =	shalt  }
0x3e: {  	_ =	shalt  }
0x3f: {  	_ =	shalt  }
0x40: {  	_ =	shalt  }
0x41: {  	_ =	shalt  }
0x42: {  	_ =	shalt  }
0x43: {  	_ =	shalt  }
0x44: {  	_ =	shalt  }
0x45: {  	_ =	shalt  }
0x46: {  	_ =	shalt  }
0x47: {  	_ =	shalt  }
0x48: {  	_ =	shalt  }
0x49: {  	_ =	shalt  }
0x4a: {  	_ =	shalt  }
0x4b: {  	_ =	shalt  }
0x4c: {  	_ =	shalt  }
0x4d: {  	_ =	shalt  }
0x4e: {  	_ =	shalt  }
0x4f: {  	_ =	shalt  }
0x50: {  	_ =	shalt  }
0x51: {  	_ =	shalt  }
0x52: {  	_ =	shalt  }
0x53: {  	_ =	shalt  }
0x54: {  	_ =	shalt  }
0x55: {  	_ =	shalt  }
0x56: {  	_ =	shalt  }
0x57: {  	_ =	shalt  }
0x58: {  	_ =	shalt  }
0x59: {  	_ =	shalt  }
0x5a: {  	_ =	shalt  }
0x5b: {  	_ =	shalt  }
0x5c: {  	_ =	shalt  }
0x5d: {  	_ =	shalt  }
0x5e: {  	_ =	shalt  }
0x5f: {  	_ =	shalt  }
0x60: {  	_ =	shalt  }
0x61: {  	_ =	shalt  }
0x62: {  	_ =	shalt  }
0x63: {  	_ =	shalt  }
0x64: {  	_ =	shalt  }
0x65: {  	_ =	shalt  }
0x66: {  	_ =	shalt  }
0x67: {  	_ =	shalt  }
0x68: {  	_ =	shalt  }
0x69: {  	_ =	shalt  }
0x6a: {  	_ =	shalt  }
0x6b: {  	_ =	shalt  }
0x6c: {  	_ =	shalt  }
0x6d: {  	_ =	shalt  }
0x6e: {  	_ =	shalt  }
0x6f: {  	_ =	shalt  }
0x70: {  	_ =	shalt  }
0x71: {  	_ =	shalt  }
0x72: {  	_ =	shalt  }
0x73: {  	_ =	shalt  }
0x74: {  	_ =	shalt  }
0x75: {  	_ =	shalt  }
0x76: {  	_ =	shalt  }
0x77: {  	_ =	shalt  }
0x78: {  	_ =	shalt  }
0x79: {  	_ =	shalt  }
0x7a: {  	_ =	shalt  }
0x7b: {  	_ =	shalt  }
0x7c: {  	_ =	shalt  }
0x7d: {  	_ =	shalt  }
0x7e: {  	_ =	shalt  }
0x7f: {  	_ =	shalt  }
0x80: {  	_ =	shalt  }
0x81: {  	_ =	shalt  }
0x82: {  	_ =	shalt  }
0x83: {  	_ =	shalt  }
0x84: {  	_ =	shalt  }
0x85: {  	_ =	shalt  }
0x86: {  	_ =	shalt  }
0x87: {  	_ =	shalt  }
.Lfunc_end0:
.L_simem_size_0:
called_computation_lowered:
.L_overlay_start_0:
0x88: {  	s2 =	sld [smem:$0x3FD9]  }
0x89: {  	s3 =	sld [smem:$0x3FFE];
	_ =	sdelay $0x1  }
0x8a: {  	s1 =	srdreg.scid  }
0x8b: {  	s0 =	sand.u32 $0x1, s1  }
0x8c: {  	s17 =	sshll.u32 s0, $0xA;
	s2 =	sadd.s32 s3, s2  }
0x8d: {  	s2 =	sadd.s32 s2, s17  }
0x8e: {  	[smem:$0x3FBD] =	sst s2  }
0x8f: {  	_ = 	snop  }
0x90: {  	s2 =	sld [smem:$0x3FD0];
	(tm) =	ssettm $0x1  }
0x91: {  	s18 =	sld [smem:$0x3FFB];
	_ =	sdelay $0x3  }
0x92: {  	_ =	strace s18  }
0x93: {  	s3 =	sld [smem:$0x3FFC];
	_ =	sdelay $0x3  }
0x94: {  	_ =	strace s3  }
0x95: {  	s3 =	sld [smem:$0x3FFD];
	_ =	sdelay $0x3  }
0x96: {  	_ =	strace s3  }
0x97: {  	_ =	strace $0x8FFFFFFF  }
0x98: {  	s19 =	sld [smem:$0x3FDB];
	_ =	sdelay $0x1  }
0x99: {  	s4 =	simm.s32 $_scs_section_size  }
0x9a: {  	s5 =	simm.s32 $_size__tile_overlayer_lowered;
	s6 =	simm.s32 $_tile_overlayer_lowered  }
0x9b: {  	s22 =	simm.s32 $0x1BFF;
	s21 =	sshll.u32 s6, $0x1;
	s3 =	sadd.s32 s4, s19  }
0x9c: {  	s7 =	simm.s32 $0x0;
	s20 =	sshll.u32 s5, $0x1;
	s5 =	sadd.s32 s21, s3  }
0x9d: {  	[timem:s7], [sflag:s22] =	dma.local [hbm:s5], s20  }
0x9e: {  	_ =	swait.ge [sflag:s22], s20  }
0x9f: {  	s4 =	ssub.s32 $0x0, s20;
	[sflag:s22] =	ssyncset.done $0x0  }
0xa0: {  	[sflag:s22] =	ssyncadd.s32 s4;
	_ =	sdelay $0x1  }
0xa1: {  	s23 =	simm.s32 $0x1B8B  }
0xa2: {  	_ =	swait.ge [sflag:s23], $0x1  }
0xa3: {  	[sflag:s23] =	ssyncset.done $0x0  }
0xa4: {  	s25 =	simm.s32 $0x1B8E;
	s24 =	sld [smem:$0x3FFE];
	[sflag:s23] =	ssyncadd.s32 $0xFFFFFFFF  }
0xa5: {  	s26 =	simm.s32 $execute0_lowered;
	[smem:$0x3FD2] =	sst s25  }
0xa6: {  	s5 =	sshll.u32 s26, $0x1;
	_ =	strace $0x80000046;
	[dreg:$0x1] =	wrdreg $0xFFFFFFFF  }
0xa7: {  	s28 =	simm.s32 $_size_execute0_lowered;
	s3 =	sadd.s32 s3, s5;
	[dreg:$0x0] =	wrdreg $0x0  }
0xa8: {  	s5 =	sshll.u32 s28, $0x1;
	[dreg:$0x2] =	wrdreg s3  }
0xa9: {  	[dreg:$0x3] =	wrdreg s5  }
0xaa: {  	[dreg:$0x4] =	wrdreg $0xC0  }
0xab: {  	_ =	task [dreg:s7], $0x5FFFF  }
0xac: {  	[dreg:$0x1] =	wrdreg $0xFFFFFFFF  }
0xad: {  	[dreg:$0x0] =	wrdreg $0x60  }
0xae: {  	[dreg:$0x2] =	wrdreg s24  }
0xaf: {  	[dreg:$0x3] =	wrdreg s2  }
0xb0: {  	[dreg:$0x4] =	wrdreg $0xDC800  }
0xb1: {  	[dreg:$0x5] =	wrdreg $0x9  }
0xb2: {  	_ =	task.clear_ibuf [dreg:s7], $0x6FFFF;
	_ =	strace $0x90000046  }
0xb3: {  	s29 =	simm.s32 $0x9;
	_ =	strace $0x80000048  }
0xb4: {  	_ =	swait.ge [sflag:s29], $0x1  }
0xb5: {  	[sflag:s29] =	ssyncadd.s32 $0xFFFFFFFF  }
0xb6: {  	_ =	strace $0x90000048  }
0xb7: {  	_ =	sfence  }
0xb8: {  	s30 =	sld [smem:$0x0];
	_ =	sdelay $0x2  }
0xb9: {  	s31 =	sshll.u32 s1, $0xD;
	s1 =	sshrl.u32 s1, $0x2  }
0xba: {  	s3 =	sand.u32 $0x4000, s31;
	s1 =	sadd.s32 s1, s30  }
0xbb: {  	s0 =	sor.u32 s3, s0;
	s1 =	sshll.u32 s1, $0x11  }
0xbc: {  	s0 =	sor.u32 s1, s0  }
0xbd: {  	s0 =	sadd.s32 $0x8F2B, s0  }
0xbe: {  	[sflag:s0] =	ssyncadd.remote.s32 $0x1  }
0xbf: {  	_ =	sfence.sel $0xFFFF  }
0xc0: {  	[dreg:$0x0] =	wrdreg $0xFFFFFFFF;
	(pc) =	sbr.abs _section_cstart, $3  }
0xc1: {  	[dreg:$0x1] =	wrdreg $0xFFFFFFFF  }
0xc2: {  	_ =	task.clear_ibuf [dreg:s7], $0x2FFFF;
	_ =	strace $0x9FFFFFFF  }
0xc3: {  	(tm) =	ssettm $0x7FFFFFFF  }
tec
execute0_lowered:
.L_overlay_start_1:
0x0: {  	(tag) =	ssettag $0x1  }
0x1: {  	s6 =	rddreg [dreg:$0x0]  }
0x2: {  	s2 =	rddreg [dreg:$0x1]  }
0x3: {  	s7 =	rddreg [dreg:$0x2]  }
0x4: {  	s0 =	rddreg [dreg:$0x3];
	s4 =	srdreg.scid  }
0x5: {  	s1 =	stileid.u32;
	s3 =	simm.s32 $0x0;
	s13 =	simm.s32 $0x4000  }
0x6: {  	s16 =	simm.s32 $0x68;
	s17 =	simm.s32 $0x4080;
	s18 =	simm.s32 $0x80  }
0x7: {  	s19 =	simm.s32 $0x7480;
	s20 =	simm.s32 $0x100;
	s21 =	simm.s32 $0xA880  }
0x8: {  	s22 =	simm.s32 $0x1;
	s23 =	simm.s32 $0x2;
	s24 =	simm.s32 $0x3  }
0x9: {  	s25 =	simm.s32 $0x0;
	s8 =	sand.u32 $0x1, s4;
	s31 =	sshll.u32 s1, $0x1  }
0xa: {  	[smem:$0x7FF] =	sst s3;
	s4 =	sadd.s32 $0x1800, s6;
	s12 =	sshll.u32 s1, $0x10  }
0xb: {  	s14 =	sshll.u32 s1, $0x6;
	s9 =	sor.u32 s8, s31;
	_ =	strace $0x80000047  }
0xc: {  	s8 =	ssub.s32 $0x2, s8;
	s15 =	sadd.s32 s12, s7;
	s12 =	simm.s32 $0x4  }
0xd: {  	s14 =	sor.u32 $0x1C04, s14;
	s5 =	sshll.u32 s9, $0xB;
	s9 =	sshll.u32 s9, $0xD  }
0xe: {  	s11 =	sshrl.u32 s8, $0x1;
	s7 =	sadd.s32 $0xFC00, s15;
	s10 =	sadd.s32 s5, s6  }
0xf: {  	s5 =	sadd.s32 $0x77200, s6;
	s9 =	sadd.s32 s9, s6;
	s11 =	ssub.s32 s8, s11  }
0x10: {  	s8 =	sadd.s32 $0xFE00, s15;
	s6 =	sadd.s32 $0x67200, s10;
	s9 =	sadd.s32 $0x79200, s9  }
0x11: {  	s10 =	smax.u32 s11, $0x1;
	s11 =	sadd.s32 $0x400, s15;
	s15 =	sshrl.u32 s15, $0x3  }
.LBB2_1:
0x12: {  	[tilespmem:s3], [sflag:$0x4] =	stream.linear.gather [hbm4b:s6+s3], $0x4000, $0x38;
	[tilespmem:$0x1DC80] =	vst v63  }
0x13: {  	_ =	swait.ge [sflag:s12], $0x4000  }
0x14: {  	[sflag:s12] =	ssyncset.done $0x0  }
0x15: {  	[sflag:s12] =	ssyncadd.s32 $0xFFFFC000  }
0x16: {  	[tilespmem:s13], [sflag:$0x4] =	stream.linear.gather [hbm4b:s2+s3], $0x80, $0x38;
	[tilespmem:$0x1DC80] =	vst v63  }
0x17: {  	_ =	swait.ge [sflag:s12], $0x80  }
0x18: {  	[sflag:s12] =	ssyncset.done $0x0  }
0x19: {  	[sflag:s12] =	ssyncadd.s32 $0xFFFFFF80  }
0x1a: {  	[spmem:s15], [sflag:s14] =	dma.local [hbm:s5], $0x2000  }
0x1b: {  	_ =	swait.ge [sflag:s12], $0x2000  }
0x1c: {  	[sflag:s12] =	ssyncset.done $0x0  }
0x1d: {  	[sflag:s12] =	ssyncadd.s32 $0xFFFFE000  }
0x1e: {  	[tilespmem:s17], [sflag:$0x1] =	stream.indirect.gather [hbm4b:s4+s16], $0x80, s3, s16, $0xb8;
	[tilespmem:$0x1DC80] =	vst v63  }
0x1f: {  	_ = 	snop  }
0x20: {  	[tilespmem:s19], [sflag:$0x2] =	stream.indirect.gather [hbm4b:s4+s16], $0x80, s18, s16, $0xb8;
	[tilespmem:$0x1DC80] =	vst v63  }
0x21: {  	_ = 	snop  }
0x22: {  	[tilespmem:s21], [sflag:$0x3] =	stream.indirect.gather [hbm4b:s4+s16], $0x80, s20, s16, $0xb8;
	[tilespmem:$0x1DC80] =	vst v63  }
0x23: {  	_ =	swait.ge [sflag:s22], $0x3400  }
0x24: {  	[sflag:s22] =	ssyncset.done $0x0  }
0x25: {  	s26 =	sadd.s32 $0xFFFFFC00, s11;
	[sflag:s22] =	ssyncadd.s32 $0xFFFFCC00  }
0x26: {  	[spmem:s26] =	stream.indirect.scatter.add.f32 [tilespmem:s17], [sflag:$0x4], $0x80, s13, s16, $0xb8;
	[tilespmem:$0x1DC80] =	vst v63  }
0x27: {  	_ =	swait.ge [sflag:s12], $0x3400  }
0x28: {  	[sflag:s12] =	ssyncset.done $0x0  }
0x29: {  	s31 =	simm.s32 $0x180;
	[sflag:s12] =	ssyncadd.s32 $0xFFFFCC00  }
0x2a: {  	[tilespmem:s17], [sflag:$0x1] =	stream.indirect.gather [hbm4b:s4+s16], $0x80, s31, s16, $0xb8;
	[tilespmem:$0x1DC80] =	vst v63  }
0x2b: {  	_ =	swait.ge [sflag:s23], $0x3400  }
0x2c: {  	[sflag:s23] =	ssyncset.done $0x0  }
0x2d: {  	s30 =	sadd.s32 $0xFFFFFE00, s11;
	[sflag:s23] =	ssyncadd.s32 $0xFFFFCC00  }
0x2e: {  	[spmem:s30] =	stream.indirect.scatter.add.f32 [tilespmem:s19], [sflag:$0x4], $0x80, s13, s16, $0xb8;
	[tilespmem:$0x1DC80] =	vst v63  }
0x2f: {  	_ =	swait.ge [sflag:s12], $0x3400  }
0x30: {  	[sflag:s12] =	ssyncset.done $0x0  }
0x31: {  	s31 =	simm.s32 $0x200;
	[sflag:s12] =	ssyncadd.s32 $0xFFFFCC00  }
0x32: {  	[tilespmem:s19], [sflag:$0x2] =	stream.indirect.gather [hbm4b:s4+s16], $0x80, s31, s16, $0xb8;
	[tilespmem:$0x1DC80] =	vst v63  }
0x33: {  	_ =	swait.ge [sflag:s24], $0x3400  }
0x34: {  	[sflag:s24] =	ssyncset.done $0x0  }
0x35: {  	s28 =	simm.s32 $0xA00;
	[sflag:s24] =	ssyncadd.s32 $0xFFFFCC00  }
0x36: {  	[spmem:s11] =	stream.indirect.scatter.add.f32 [tilespmem:s21], [sflag:$0x4], $0x80, s13, s16, $0xb8;
	[tilespmem:$0x1DC80] =	vst v63  }
0x37: {  	s28 =	sand.u32 $0xFE00, s28;
	_ =	swait.ge [sflag:s12], $0x3400  }
0x38: {  	s29 =	sshrl.u32 s28, $0x2;
	[sflag:s12] =	ssyncset.done $0x0  }
0x39: {  	s28 =	sadd.s32 $0x600, s11;
	s26 =	simm.s32 $0x1000;
	[sflag:s12] =	ssyncadd.s32 $0xFFFFCC00  }
.LBB2_2:
0x3a: {  	[tilespmem:s21], [sflag:$0x3] =	stream.indirect.gather [hbm4b:s4+s16], $0x80, s29, s16, $0xb8;
	[tilespmem:$0x1DC80] =	vst v63  }
0x3b: {  	s29 =	smov.u32 s26  }
0x3c: {  	p0 =	sne.s32 s26, $0x10000;
	s26 =	sadd.s32 $0x600, s26;
	_ =	swait.ge [sflag:s22], $0x3400  }
0x3d: {  	[sflag:s22] =	ssyncset.done $0x0  }
0x3e: {  	s30 =	sadd.s32 $0xFFFFFC00, s28;
	[sflag:s22] =	ssyncadd.s32 $0xFFFFCC00  }
0x3f: {  	[spmem:s30] =	stream.indirect.scatter.add.f32 [tilespmem:s17], [sflag:$0x4], $0x80, s13, s16, $0xb8;
	[tilespmem:$0x1DC80] =	vst v63  }
0x40: {  	_ =	swait.ge [sflag:s12], $0x3400  }
0x41: {  	s30 =	sshra.s32 s29, $0x2;
	[sflag:s12] =	ssyncset.done $0x0  }
0x42: {  	s31 =	sadd.s32 $0xFFFFFF00, s30;
	[sflag:s12] =	ssyncadd.s32 $0xFFFFCC00  }
0x43: {  	[tilespmem:s17], [sflag:$0x1] =	stream.indirect.gather [hbm4b:s4+s16], $0x80, s31, s16, $0xb8;
	[tilespmem:$0x1DC80] =	vst v63  }
0x44: {  	_ =	swait.ge [sflag:s23], $0x3400  }
0x45: {  	[sflag:s23] =	ssyncset.done $0x0  }
0x46: {  	s31 =	sadd.s32 $0xFFFFFE00, s28;
	[sflag:s23] =	ssyncadd.s32 $0xFFFFCC00  }
0x47: {  	[spmem:s31] =	stream.indirect.scatter.add.f32 [tilespmem:s19], [sflag:$0x4], $0x80, s13, s16, $0xb8;
	[tilespmem:$0x1DC80] =	vst v63  }
0x48: {  	_ =	swait.ge [sflag:s12], $0x3400  }
0x49: {  	[sflag:s12] =	ssyncset.done $0x0  }
0x4a: {  	s30 =	sadd.s32 $0xFFFFFF80, s30;
	[sflag:s12] =	ssyncadd.s32 $0xFFFFCC00  }
0x4b: {  	[tilespmem:s19], [sflag:$0x2] =	stream.indirect.gather [hbm4b:s4+s16], $0x80, s30, s16, $0xb8;
	[tilespmem:$0x1DC80] =	vst v63  }
0x4c: {  	_ =	swait.ge [sflag:s24], $0x3400  }
0x4d: {  	[sflag:s24] =	ssyncset.done $0x0  }
.Ltmp0:
0x4e: {  	[sflag:s24] =	ssyncadd.s32 $0xFFFFCC00;
	(pc) =	sbr.rel @p0 .LBB2_2-.Ltmp0, $4  }
0x4f: {  	[spmem:s28] =	stream.indirect.scatter.add.f32 [tilespmem:s21], [sflag:$0x4], $0x80, s13, s16, $0xb8;
	[tilespmem:$0x1DC80] =	vst v63  }
0x50: {  	_ =	swait.ge [sflag:s12], $0x3400  }
0x51: {  	s29 =	sand.u32 $0xFE00, s29;
	[sflag:s12] =	ssyncset.done $0x0  }
0x52: {  	s29 =	sshrl.u32 s29, $0x2;
	s28 =	sadd.s32 $0x600, s28;
	[sflag:s12] =	ssyncadd.s32 $0xFFFFCC00  }
0x53: {  	[tilespmem:s21], [sflag:$0x3] =	stream.indirect.gather [hbm4b:s4+s16], $0x80, s29, s16, $0xb8;
	[tilespmem:$0x1DC80] =	vst v63  }
0x54: {  	_ =	swait.ge [sflag:s22], $0x3400  }
0x55: {  	[sflag:s22] =	ssyncset.done $0x0  }
0x56: {  	[sflag:s22] =	ssyncadd.s32 $0xFFFFCC00  }
0x57: {  	[spmem:s7] =	stream.indirect.scatter.add.f32 [tilespmem:s17], [sflag:$0x4], $0x80, s13, s16, $0xb8;
	[tilespmem:$0x1DC80] =	vst v63  }
0x58: {  	_ =	swait.ge [sflag:s12], $0x3400  }
0x59: {  	[sflag:s12] =	ssyncset.done $0x0  }
0x5a: {  	[sflag:s12] =	ssyncadd.s32 $0xFFFFCC00  }
0x5b: {  	_ =	swait.ge [sflag:s23], $0x3400  }
0x5c: {  	[sflag:s23] =	ssyncset.done $0x0  }
0x5d: {  	[sflag:s23] =	ssyncadd.s32 $0xFFFFCC00  }
0x5e: {  	[spmem:s8] =	stream.indirect.scatter.add.f32 [tilespmem:s19], [sflag:$0x4], $0x80, s13, s16, $0xb8;
	[tilespmem:$0x1DC80] =	vst v63  }
0x5f: {  	_ =	swait.ge [sflag:s12], $0x3400  }
0x60: {  	[sflag:s12] =	ssyncset.done $0x0  }
0x61: {  	[sflag:s12] =	ssyncadd.s32 $0xFFFFCC00  }
0x62: {  	s25 =	sadd.s32 $0x1, s25;
	_ =	swait.ge [sflag:s24], $0x3400  }
0x63: {  	p0 =	sne.s32 s25, s10;
	[sflag:s24] =	ssyncset.done $0x0  }
.Ltmp1:
0x64: {  	[sflag:s24] =	ssyncadd.s32 $0xFFFFCC00;
	(pc) =	sbr.rel @p0 .LBB2_1-.Ltmp1, $4  }
0x65: {  	[hbm:s9], [sflag:s14] =	dma.local [spmem:s15], $0x2000  }
0x66: {  	_ =	swait.ge [sflag:s12], $0x2000  }
0x67: {  	[sflag:s12] =	ssyncset.done $0x0  }
0x68: {  	[sflag:s12] =	ssyncadd.s32 $0xFFFFE000  }
0x69: {  	_ =	sfence.sel $0x180000  }
0x6a: {  	[bflag:$0x0] =	sbarrier.arrive $0xFFFF  }
0x6b: {  	p0 =	sne.s32 s1, $0x0;
	_ =	strace $0x90000047  }
0x6c: {  	s0 =	sadd.s32 @!p0 $0x100000, s0;
	[bflag:$0x2] =	sbarrier.arrive $0xFFFF  }
0x6d: {  	[sflag:s0] =	ssyncadd.tile.s32 @!p0 $0x1;
	_ =	shalt  }
.Lfunc_end2:
_tile_overlayer_lowered:
.L_overlay_start_2:
0x6e: {  	(tag) =	ssettag $0x2  }
0x6f: {  	s0 =	rddreg [dreg:$0x0];
	s2 =	stileid.u32  }
0x70: {  	s1 =	rddreg [dreg:$0x1];
	p0 =	sne.s32 s2, $0x0  }
0x71: {  	s3 =	rddreg [dreg:$0x2];
	[bflag:$0x3] =	sbarrier.arrive $0xFFFF;
	s2 =	simm.s32 @!p0 $0x1C04  }
0x72: {  	[timem:s3], [sflag:s2] =	dma.local @!p0 [hbm:s0], s1  }
0x73: {  	s0 =	simm.s32 @!p0 $0x4  }
0x74: {  	_ =	swait.ge @!p0 [sflag:s0], s1  }
0x75: {  	s1 =	ssub.s32 @!p0 $0x0, s1;
	[sflag:s0] =	ssyncset.done @!p0 $0x0  }
0x76: {  	[sflag:s0] =	ssyncadd.s32 @!p0 s1  }
0x77: {  	[bflag:$0x3] =	sbarrier.arrive $0xFFFF  }
0x78: {  	_ =	shalt  }

</sc_bundles>
